<compile_context>
chip_gen: v7x
topology: tpu7x:2x2x1
jax: 0.10.2.dev20260603
libtpu: 0.0.44.dev20260713+nightly
codegen_flags: <defaults>
</compile_context>

<pallas_src>
import jax
import jax.numpy as jnp
from jax import lax
from jax.experimental import pallas as pl
from jax.experimental.pallas import tpu as pltpu
from jax.experimental.pallas import tpu_sc as plsc

N = 100000
D = 128
NC = 2
NS = 16
NW = NC * NS
ELEMS = N * D
ELEMS_PER_W = ELEMS // NW
BLOCK_E = 16_000
NBLK = ELEMS_PER_W // BLOCK_E
LANES = 16


def _bcast_body(table_hbm, out_hbm, buf, sem):
    wid = lax.axis_index("s") * NC + lax.axis_index("c")
    pltpu.sync_copy(table_hbm.at[0], buf.at[pl.ds(0, D)])
    regs = [buf[pl.ds(j * LANES, LANES)] for j in range(D // LANES)]

    @pl.loop(0, BLOCK_E, step=D)
    def _(c):
        for j, r in enumerate(regs):
            buf[pl.ds(c + j * LANES, LANES)] = r

    base = wid * ELEMS_PER_W

    @pl.loop(0, NBLK)
    def _(j):
        pltpu.make_async_copy(
            buf, out_hbm.at[pl.ds(base + j * BLOCK_E, BLOCK_E)], sem
        ).start()

    @pl.loop(0, NBLK)
    def _(j):
        pltpu.make_async_copy(
            buf, out_hbm.at[pl.ds(base + j * BLOCK_E, BLOCK_E)], sem
        ).wait()


def kernel(x, table):
    del x
    mesh = plsc.VectorSubcoreMesh(core_axis_name="c", subcore_axis_name="s")
    bcast = pl.kernel(
        _bcast_body,
        out_type=jax.ShapeDtypeStruct((ELEMS,), jnp.float32),
        mesh=mesh,
        scratch_types=[
            pltpu.VMEM((BLOCK_E,), jnp.float32),
            pltpu.SemaphoreType.DMA,
        ],
    )
    return bcast(table).reshape(N, D)

# --- scband reference (transcript-rebuilt; emitter-appended) ---
"""Pipeline reference for scband-ppanode-encoder-2929167696026 (READ-ONLY COPY).

The authoritative reference and input builder live on the scoring server;
editing this copy changes nothing except your own understanding.
"""

import jax, jax.numpy as jnp
import numpy as np

N = 100000
EMB_DIM = 128
NUM_EMBEDDINGS = 1


def setup_inputs(seed: int = 0) -> dict:
    key = jax.random.key(seed)
    # PPA nodes have no features: every node gets index 0 into a 1-row table.
    x = jnp.zeros((N,), dtype=jnp.int32)
    # Learned parameter: embedding table of the torch.nn.Embedding(1, emb_dim)
    k_tab = jax.random.fold_in(key, 1)
    table = jax.random.normal(k_tab, (NUM_EMBEDDINGS, EMB_DIM), dtype=jnp.float32)
    return {"x": x, "table": table}


def reference(x, table):
    # batch.x = self.encoder(batch.x)  -> embedding lookup
    out = jnp.take(table, x, axis=0)
    return out

if __name__ == "__main__":
    import jax
    _d = setup_inputs()
    print(jax.jit(kernel)(*tuple(_d.values())))

</pallas_src>

<mosaic_0001>
#map = affine_map<(d0, d1) -> (0, 0)>
#map1 = affine_map<(d0, d1) -> (0)>
module attributes {stable_mosaic.version = 14 : i64} {
  func.func @_bcast_body(%arg0: i32, %arg1: i32, %arg2: memref<1x128xf32, #tpu.memory_space<hbm>>, %arg3: memref<12800000xf32, #tpu.memory_space<hbm>>, %arg4: memref<16000xf32, #tpu.memory_space<vmem>>, %arg5: memref<!tpu.dma_semaphore, #tpu.memory_space<semaphore_mem>>) attributes {dimension_semantics = [#tpu.dimension_semantics<core_parallel>, #tpu.dimension_semantics<subcore_parallel>], iteration_bounds = array<i64: 2, 16>, scalar_prefetch = 0 : i64, scratch_operands = 2 : i64, tpu.core_type = #tpu.core_type<sc_vector_subcore>, window_params = [{transform_indices = #map}, {transform_indices = #map1}]} {
    %mul3A = arith.constant 2 : i32
    %mul3A_0 = arith.muli %arg1, %mul3A : i32
    %add3A = arith.addi %mul3A_0, %arg0 : i32
    %run_scoped3A = arith.constant 0 : i32
    "tpu.region"() ({
      %run_scoped3A_40 = tpu.sem_alloc : memref<!tpu.dma_semaphore, #tpu.memory_space<semaphore_mem>>
      %dma_start3A = arith.constant 0 : i32
      %dma_start3A_41 = tpu.memref_slice %arg4[%dma_start3A] : memref<16000xf32, #tpu.memory_space<vmem>> -> memref<128xf32, #tpu.memory_space<vmem>>
      %dma_start3A_42 = arith.constant 0 : i32
      %dma_start3A_43 = tpu.memref_slice %arg2[%run_scoped3A, %dma_start3A_42] : memref<1x128xf32, #tpu.memory_space<hbm>> -> memref<1x128xf32, #tpu.memory_space<hbm>>
      %dma_start3A_44 = tpu.memref_squeeze %dma_start3A_43 : memref<1x128xf32, #tpu.memory_space<hbm>> -> memref<128xf32, #tpu.memory_space<hbm>>
      %dma_start3A_45 = arith.constant 0 : i32
      %dma_start3A_46 = tpu.memref_slice %arg4[%dma_start3A_45] : memref<16000xf32, #tpu.memory_space<vmem>> -> memref<128xf32, #tpu.memory_space<vmem>>
      %dma_start3A_47 = arith.constant 0 : i32
      %dma_start3A_48 = tpu.memref_slice %arg2[%run_scoped3A, %dma_start3A_47] : memref<1x128xf32, #tpu.memory_space<hbm>> -> memref<1x128xf32, #tpu.memory_space<hbm>>
      %dma_start3A_49 = tpu.memref_squeeze %dma_start3A_48 : memref<1x128xf32, #tpu.memory_space<hbm>> -> memref<128xf32, #tpu.memory_space<hbm>>
      tpu.enqueue_dma source(%dma_start3A_49 : memref<128xf32, #tpu.memory_space<hbm>>) target(%dma_start3A_46 : memref<128xf32, #tpu.memory_space<vmem>>) target_semaphore(%run_scoped3A_40 : memref<!tpu.dma_semaphore, #tpu.memory_space<semaphore_mem>>)
      %dma_wait3A = arith.constant 0 : i32
      %dma_wait3A_50 = tpu.memref_slice %arg4[%dma_wait3A] : memref<16000xf32, #tpu.memory_space<vmem>> -> memref<128xf32, #tpu.memory_space<vmem>>
      %dma_wait3A_51 = arith.constant 0 : i32
      %dma_wait3A_52 = tpu.memref_slice %arg2[%run_scoped3A, %dma_wait3A_51] : memref<1x128xf32, #tpu.memory_space<hbm>> -> memref<1x128xf32, #tpu.memory_space<hbm>>
      %dma_wait3A_53 = tpu.memref_squeeze %dma_wait3A_52 : memref<1x128xf32, #tpu.memory_space<hbm>> -> memref<128xf32, #tpu.memory_space<hbm>>
      %dma_wait3A_54 = arith.constant 0 : i32
      %dma_wait3A_55 = tpu.memref_slice %arg4[%dma_wait3A_54] : memref<16000xf32, #tpu.memory_space<vmem>> -> memref<128xf32, #tpu.memory_space<vmem>>
      %dma_wait3A_56 = arith.constant 0 : i32
      %dma_wait3A_57 = tpu.memref_slice %arg2[%run_scoped3A, %dma_wait3A_56] : memref<1x128xf32, #tpu.memory_space<hbm>> -> memref<1x128xf32, #tpu.memory_space<hbm>>
      %dma_wait3A_58 = tpu.memref_squeeze %dma_wait3A_57 : memref<1x128xf32, #tpu.memory_space<hbm>> -> memref<128xf32, #tpu.memory_space<hbm>>
      tpu.wait_dma2 semaphore(%run_scoped3A_40 : memref<!tpu.dma_semaphore, #tpu.memory_space<semaphore_mem>>) src(%dma_wait3A_58 : memref<128xf32, #tpu.memory_space<hbm>>) dst(%dma_wait3A_55 : memref<128xf32, #tpu.memory_space<vmem>>)
      tpu.yield
    }) : () -> ()
    %get3A = arith.constant 0 : index
    %get3A_1 = tpu.vector_load %arg4[%get3A] {strides = array<i32>} : memref<16000xf32, #tpu.memory_space<vmem>>, vector<16xf32>,
    %get3A_2 = vector.shape_cast %get3A_1 : vector<16xf32> to vector<16xf32>
    %get3A_3 = arith.constant 16 : index
    %get3A_4 = tpu.vector_load %arg4[%get3A_3] {strides = array<i32>} : memref<16000xf32, #tpu.memory_space<vmem>>, vector<16xf32>,
    %get3A_5 = vector.shape_cast %get3A_4 : vector<16xf32> to vector<16xf32>
    %get3A_6 = arith.constant 32 : index
    %get3A_7 = tpu.vector_load %arg4[%get3A_6] {strides = array<i32>} : memref<16000xf32, #tpu.memory_space<vmem>>, vector<16xf32>,
    %get3A_8 = vector.shape_cast %get3A_7 : vector<16xf32> to vector<16xf32>
    %get3A_9 = arith.constant 48 : index
    %get3A_10 = tpu.vector_load %arg4[%get3A_9] {strides = array<i32>} : memref<16000xf32, #tpu.memory_space<vmem>>, vector<16xf32>,
    %get3A_11 = vector.shape_cast %get3A_10 : vector<16xf32> to vector<16xf32>
    %get3A_12 = arith.constant 64 : index
    %get3A_13 = tpu.vector_load %arg4[%get3A_12] {strides = array<i32>} : memref<16000xf32, #tpu.memory_space<vmem>>, vector<16xf32>,
    %get3A_14 = vector.shape_cast %get3A_13 : vector<16xf32> to vector<16xf32>
    %get3A_15 = arith.constant 80 : index
    %get3A_16 = tpu.vector_load %arg4[%get3A_15] {strides = array<i32>} : memref<16000xf32, #tpu.memory_space<vmem>>, vector<16xf32>,
    %get3A_17 = vector.shape_cast %get3A_16 : vector<16xf32> to vector<16xf32>
    %get3A_18 = arith.constant 96 : index
    %get3A_19 = tpu.vector_load %arg4[%get3A_18] {strides = array<i32>} : memref<16000xf32, #tpu.memory_space<vmem>>, vector<16xf32>,
    %get3A_20 = vector.shape_cast %get3A_19 : vector<16xf32> to vector<16xf32>
    %get3A_21 = arith.constant 112 : index
    %get3A_22 = tpu.vector_load %arg4[%get3A_21] {strides = array<i32>} : memref<16000xf32, #tpu.memory_space<vmem>>, vector<16xf32>,
    %get3A_23 = vector.shape_cast %get3A_22 : vector<16xf32> to vector<16xf32>
    %scan3A = arith.constant 0 : i32
    %scan3A_24 = arith.constant 125 : i32
    %scan3A_25 = arith.addi %scan3A, %scan3A_24 : i32
    %scan3A_26 = arith.constant 1 : i32
    scf.for %scan3A_40 = %scan3A to %scan3A_25 step %scan3A_26  : i32 {
      %mul3A_41 = arith.constant 128 : i32
      %mul3A_42 = arith.muli %scan3A_40, %mul3A_41 : i32
      %add3A_43 = arith.constant 0 : i32
      %add3A_44 = arith.addi %add3A_43, %mul3A_42 : i32
      %add3A_45 = arith.constant 0 : i32
      %add3A_46 = arith.addi %add3A_44, %add3A_45 : i32
      %swap3A = arith.index_cast %add3A_46 : i32 to index
      %swap3A_47 = tpu.vector_load %arg4[%swap3A] {strides = array<i32>} : memref<16000xf32, #tpu.memory_space<vmem>>, vector<16xf32>,
      %swap3A_48 = vector.shape_cast %swap3A_47 : vector<16xf32> to vector<16xf32>
      %swap3A_49 = vector.shape_cast %get3A_2 : vector<16xf32> to vector<16xf32>
      tpu.vector_store %arg4[%swap3A], %swap3A_49 {strides = array<i32>} : memref<16000xf32, #tpu.memory_space<vmem>>, vector<16xf32>,
      %add3A_50 = arith.constant 16 : i32
      %add3A_51 = arith.addi %add3A_44, %add3A_50 : i32
      %swap3A_52 = arith.index_cast %add3A_51 : i32 to index
      %swap3A_53 = tpu.vector_load %arg4[%swap3A_52] {strides = array<i32>} : memref<16000xf32, #tpu.memory_space<vmem>>, vector<16xf32>,
      %swap3A_54 = vector.shape_cast %swap3A_53 : vector<16xf32> to vector<16xf32>
      %swap3A_55 = vector.shape_cast %get3A_5 : vector<16xf32> to vector<16xf32>
      tpu.vector_store %arg4[%swap3A_52], %swap3A_55 {strides = array<i32>} : memref<16000xf32, #tpu.memory_space<vmem>>, vector<16xf32>,
      %add3A_56 = arith.constant 32 : i32
      %add3A_57 = arith.addi %add3A_44, %add3A_56 : i32
      %swap3A_58 = arith.index_cast %add3A_57 : i32 to index
      %swap3A_59 = tpu.vector_load %arg4[%swap3A_58] {strides = array<i32>} : memref<16000xf32, #tpu.memory_space<vmem>>, vector<16xf32>,
      %swap3A_60 = vector.shape_cast %swap3A_59 : vector<16xf32> to vector<16xf32>
      %swap3A_61 = vector.shape_cast %get3A_8 : vector<16xf32> to vector<16xf32>
      tpu.vector_store %arg4[%swap3A_58], %swap3A_61 {strides = array<i32>} : memref<16000xf32, #tpu.memory_space<vmem>>, vector<16xf32>,
      %add3A_62 = arith.constant 48 : i32
      %add3A_63 = arith.addi %add3A_44, %add3A_62 : i32
      %swap3A_64 = arith.index_cast %add3A_63 : i32 to index
      %swap3A_65 = tpu.vector_load %arg4[%swap3A_64] {strides = array<i32>} : memref<16000xf32, #tpu.memory_space<vmem>>, vector<16xf32>,
      %swap3A_66 = vector.shape_cast %swap3A_65 : vector<16xf32> to vector<16xf32>
      %swap3A_67 = vector.shape_cast %get3A_11 : vector<16xf32> to vector<16xf32>
      tpu.vector_store %arg4[%swap3A_64], %swap3A_67 {strides = array<i32>} : memref<16000xf32, #tpu.memory_space<vmem>>, vector<16xf32>,
      %add3A_68 = arith.constant 64 : i32
      %add3A_69 = arith.addi %add3A_44, %add3A_68 : i32
      %swap3A_70 = arith.index_cast %add3A_69 : i32 to index
      %swap3A_71 = tpu.vector_load %arg4[%swap3A_70] {strides = array<i32>} : memref<16000xf32, #tpu.memory_space<vmem>>, vector<16xf32>,
      %swap3A_72 = vector.shape_cast %swap3A_71 : vector<16xf32> to vector<16xf32>
      %swap3A_73 = vector.shape_cast %get3A_14 : vector<16xf32> to vector<16xf32>
      tpu.vector_store %arg4[%swap3A_70], %swap3A_73 {strides = array<i32>} : memref<16000xf32, #tpu.memory_space<vmem>>, vector<16xf32>,
      %add3A_74 = arith.constant 80 : i32
      %add3A_75 = arith.addi %add3A_44, %add3A_74 : i32
      %swap3A_76 = arith.index_cast %add3A_75 : i32 to index
      %swap3A_77 = tpu.vector_load %arg4[%swap3A_76] {strides = array<i32>} : memref<16000xf32, #tpu.memory_space<vmem>>, vector<16xf32>,
      %swap3A_78 = vector.shape_cast %swap3A_77 : vector<16xf32> to vector<16xf32>
      %swap3A_79 = vector.shape_cast %get3A_17 : vector<16xf32> to vector<16xf32>
      tpu.vector_store %arg4[%swap3A_76], %swap3A_79 {strides = array<i32>} : memref<16000xf32, #tpu.memory_space<vmem>>, vector<16xf32>,
      %add3A_80 = arith.constant 96 : i32
      %add3A_81 = arith.addi %add3A_44, %add3A_80 : i32
      %swap3A_82 = arith.index_cast %add3A_81 : i32 to index
      %swap3A_83 = tpu.vector_load %arg4[%swap3A_82] {strides = array<i32>} : memref<16000xf32, #tpu.memory_space<vmem>>, vector<16xf32>,
      %swap3A_84 = vector.shape_cast %swap3A_83 : vector<16xf32> to vector<16xf32>
      %swap3A_85 = vector.shape_cast %get3A_20 : vector<16xf32> to vector<16xf32>
      tpu.vector_store %arg4[%swap3A_82], %swap3A_85 {strides = array<i32>} : memref<16000xf32, #tpu.memory_space<vmem>>, vector<16xf32>,
      %add3A_86 = arith.constant 112 : i32
      %add3A_87 = arith.addi %add3A_44, %add3A_86 : i32
      %swap3A_88 = arith.index_cast %add3A_87 : i32 to index
      %swap3A_89 = tpu.vector_load %arg4[%swap3A_88] {strides = array<i32>} : memref<16000xf32, #tpu.memory_space<vmem>>, vector<16xf32>,
      %swap3A_90 = vector.shape_cast %swap3A_89 : vector<16xf32> to vector<16xf32>
      %swap3A_91 = vector.shape_cast %get3A_23 : vector<16xf32> to vector<16xf32>
      tpu.vector_store %arg4[%swap3A_88], %swap3A_91 {strides = array<i32>} : memref<16000xf32, #tpu.memory_space<vmem>>, vector<16xf32>,
    }
    %scan3A_27 = arith.constant 125 : i32
    %mul3A_28 = arith.constant 400000 : i32
    %mul3A_29 = arith.muli %add3A, %mul3A_28 : i32
    %scan3A_30 = arith.constant 0 : i32
    %scan3A_31 = arith.constant 25 : i32
    %scan3A_32 = arith.addi %scan3A_30, %scan3A_31 : i32
    %scan3A_33 = arith.constant 1 : i32
    scf.for %scan3A_40 = %scan3A_30 to %scan3A_32 step %scan3A_33  : i32 {
      %mul3A_41 = arith.constant 1 : i32
      %mul3A_42 = arith.muli %scan3A_40, %mul3A_41 : i32
      %add3A_43 = arith.constant 0 : i32
      %add3A_44 = arith.addi %add3A_43, %mul3A_42 : i32
      %mul3A_45 = arith.constant 16000 : i32
      %mul3A_46 = arith.muli %add3A_44, %mul3A_45 : i32
      %add3A_47 = arith.addi %mul3A_29, %mul3A_46 : i32
      %dma_start3A = tpu.memref_slice %arg3[%add3A_47] : memref<12800000xf32, #tpu.memory_space<hbm>> -> memref<16000xf32, #tpu.memory_space<hbm>>
      %dma_start3A_48 = tpu.memref_slice %arg3[%add3A_47] : memref<12800000xf32, #tpu.memory_space<hbm>> -> memref<16000xf32, #tpu.memory_space<hbm>>
      tpu.enqueue_dma source(%arg4 : memref<16000xf32, #tpu.memory_space<vmem>>) target(%dma_start3A_48 : memref<16000xf32, #tpu.memory_space<hbm>>) target_semaphore(%arg5 : memref<!tpu.dma_semaphore, #tpu.memory_space<semaphore_mem>>)
    }
    %scan3A_34 = arith.constant 25 : i32
    %scan3A_35 = arith.constant 0 : i32
    %scan3A_36 = arith.constant 25 : i32
    %scan3A_37 = arith.addi %scan3A_35, %scan3A_36 : i32
    %scan3A_38 = arith.constant 1 : i32
    scf.for %scan3A_40 = %scan3A_35 to %scan3A_37 step %scan3A_38  : i32 {
      %mul3A_41 = arith.constant 1 : i32
      %mul3A_42 = arith.muli %scan3A_40, %mul3A_41 : i32
      %add3A_43 = arith.constant 0 : i32
      %add3A_44 = arith.addi %add3A_43, %mul3A_42 : i32
      %mul3A_45 = arith.constant 16000 : i32
      %mul3A_46 = arith.muli %add3A_44, %mul3A_45 : i32
      %add3A_47 = arith.addi %mul3A_29, %mul3A_46 : i32
      %dma_wait3A = tpu.memref_slice %arg3[%add3A_47] : memref<12800000xf32, #tpu.memory_space<hbm>> -> memref<16000xf32, #tpu.memory_space<hbm>>
      %dma_wait3A_48 = tpu.memref_slice %arg3[%add3A_47] : memref<12800000xf32, #tpu.memory_space<hbm>> -> memref<16000xf32, #tpu.memory_space<hbm>>
      tpu.wait_dma2 semaphore(%arg5 : memref<!tpu.dma_semaphore, #tpu.memory_space<semaphore_mem>>) src(%arg4 : memref<16000xf32, #tpu.memory_space<vmem>>) dst(%dma_wait3A_48 : memref<16000xf32, #tpu.memory_space<hbm>>)
    }
    %scan3A_39 = arith.constant 25 : i32
    return
  }
}

</mosaic_0001>

<sc_bundles>
// kernel: kernel.3.cloned.1.call-start
scs
__scs_entry_jumppad:
0x0: {  	(pc) =	sbr.rel $0x88, $3  }
0x1: {  	(tag) =	ssettag $0x0;
	lr =	simm.s32 $0x1  }
0x2: {  	[smem:$0x3FA0] =	sst lr;
	_ =	strace $0xD0000000  }
0x3: {  	_ = 	snop  }
0x4: {  	_ = 	snop  }
0x5: {  	_ = 	snop  }
0x6: {  	_ = 	snop  }
0x7: {  	_ = 	snop  }
__scs_overlays_trampoline_lowered:
0x8: {  	[smem:$0x3FAF] =	sst s0  }
0x9: {  	[smem:$0x3FB0] =	sst s1  }
0xa: {  	[smem:$0x3FB1] =	sst s2  }
0xb: {  	[smem:$0x3FB2] =	sst s3  }
0xc: {  	[smem:$0x3FB3] =	sst s4  }
0xd: {  	[smem:$0x3FB4] =	sst s5  }
0xe: {  	[smem:$0x3FB5] =	sst s6  }
0xf: {  	[smem:$0x3FB6] =	sst s7  }
0x10: {  	[smem:$0x3FB7] =	sst s8  }
0x11: {  	[smem:$0x3FB8] =	sst s9;
	s0 =	simm.s32 @!p0 $0x0  }
0x12: {  	s1 =	sld [smem:$0x3F9E];
	s0 =	simm.s32 @p0 $0x1  }
0x13: {  	[smem:$0x3FB9] =	sst s0;
	s0 =	simm.s32 @!p1 $0x0  }
0x14: {  	s2 =	sld [smem:$0x3F9D];
	s0 =	simm.s32 @p1 $0x1  }
0x15: {  	[smem:$0x3FBA] =	sst s0;
	s0 =	simm.s32 @!p2 $0x0  }
0x16: {  	s3 =	sld [smem:$0x3FDB];
	s0 =	simm.s32 @p2 $0x1  }
0x17: {  	s4 =	simm.s32 $0x1BF5;
	[smem:$0x3FBC] =	sst s0  }
0x18: {  	s0 =	sld [smem:$0x3F9F];
	_ =	swait.ge [sflag:s4], $0x0  }
0x19: {  	s7 =	sld [smem:$0x3FA0]  }
0x1a: {  	s8 =	sadd.s32 $0xFFFFE003, lr  }
0x1b: {  	s9 =	sadd.s32 $0xFFFFFEF7, lr;
	s5 =	simm.s32 $0xFFFFFFFF;
	p2 =	slt.u32 s8, $0xFFFFF086  }
0x1c: {  	p1 =	slt.u32 s9, $0xF7A;
	s5 =	simm.s32 @!p2 $0x0  }
0x1d: {  	s5 =	simm.s32 @p1 $0x1;
	p0 =	seq.s32 s7, s2  }
0x1e: {  	s7 =	smul.u32 @!p0 $0xF7A, s2;
	p2 =	seq.s32 @!p0 s5, $0x0  }
0x1f: {  	s9 =	smul.u32 $0xF7A, s1;
	s8 =	simm.s32 @!p0 $0x1BF5;
	p2 =	por !p2, p0  }
0x20: {  	[sflag:s8] =	ssyncset.s32 @!p0 $0xFFFFF086;
	s6 =	sadd.s32 @!p0 s3, s7;
	s7 =	simm.s32 @!p0 $0x108  }
0x21: {  	s3 =	sadd.s32 s3, s9;
	s6 =	sadd.s32 @!p0 $0x88, s6;
	s7 =	simm.s32 @p2 $0x1082  }
0x22: {  	[simem:s7], [sflag:s8] =	dma.local @!p0 [hbm:s6], $0xF7A  }
0x23: {  	s9 =	sor.u32 $0xD0000000, s2;
	s6 =	simm.s32 $0x108;
	_ =	swait.ge @!p0 [sflag:s8], $0x0  }
0x24: {  	s3 =	sadd.s32 $0x88, s3;
	s6 =	simm.s32 @!p1 $0x1082;
	[sflag:s4] =	ssyncset.s32 $0xFFFFF086  }
0x25: {  	[simem:s6], [sflag:s4] =	dma.local [hbm:s3], $0xF7A  }
0x26: {  	[smem:$0x3FA0] =	sst s1;
	(tag) =	ssettag s2;
	_ =	strace s9  }
0x27: {  	s1 =	sld [smem:$0x3FB0]  }
0x28: {  	s2 =	sld [smem:$0x3FB1]  }
0x29: {  	s4 =	sld [smem:$0x3FB3]  }
0x2a: {  	p0 =	seq.s32 s5, $0x0;
	s5 =	sld [smem:$0x3FB4]  }
0x2b: {  	s6 =	sld [smem:$0x3FB5]  }
0x2c: {  	s7 =	sld [smem:$0x3FB6]  }
0x2d: {  	s3 =	simm.s32 $0x108;
	s8 =	sld [smem:$0x3FB7]  }
0x2e: {  	s3 =	simm.s32 @!p0 $0x1082;
	s9 =	sld [smem:$0x3FB8]  }
0x2f: {  	lr =	sadd.s32 s0, s3;
	s0 =	sld [smem:$0x3FAF]  }
0x30: {  	s3 =	sld [smem:$0x3FB2]  }
0x31: {  	[smem:$0x3FBB] =	sst s10  }
0x32: {  	s10 =	sld [smem:$0x3FB9];
	_ =	sdelay $0x3  }
0x33: {  	p0 =	seq.s32 s10, $0x1;
	s10 =	sld [smem:$0x3FBB];
	_ =	sdelay $0x3  }
0x34: {  	[smem:$0x3FBB] =	sst s10  }
0x35: {  	s10 =	sld [smem:$0x3FBA];
	_ =	sdelay $0x3  }
0x36: {  	p1 =	seq.s32 s10, $0x1;
	s10 =	sld [smem:$0x3FBB];
	_ =	sdelay $0x3  }
0x37: {  	[smem:$0x3FBB] =	sst s10  }
0x38: {  	s10 =	sld [smem:$0x3FBC]  }
0x39: {  	_ = 	snop;
	(pc) =	sbr.ind lr, $3  }
0x3a: {  	_ = 	snop  }
0x3b: {  	_ = 	snop  }
0x3c: {  	p2 =	seq.s32 s10, $0x1;
	s10 =	sld [smem:$0x3FBB]  }
0x3d: {  	_ =	shalt  }
0x3e: {  	_ =	shalt  }
0x3f: {  	_ =	shalt  }
0x40: {  	_ =	shalt  }
0x41: {  	_ =	shalt  }
0x42: {  	_ =	shalt  }
0x43: {  	_ =	shalt  }
0x44: {  	_ =	shalt  }
0x45: {  	_ =	shalt  }
0x46: {  	_ =	shalt  }
0x47: {  	_ =	shalt  }
0x48: {  	_ =	shalt  }
0x49: {  	_ =	shalt  }
0x4a: {  	_ =	shalt  }
0x4b: {  	_ =	shalt  }
0x4c: {  	_ =	shalt  }
0x4d: {  	_ =	shalt  }
0x4e: {  	_ =	shalt  }
0x4f: {  	_ =	shalt  }
0x50: {  	_ =	shalt  }
0x51: {  	_ =	shalt  }
0x52: {  	_ =	shalt  }
0x53: {  	_ =	shalt  }
0x54: {  	_ =	shalt  }
0x55: {  	_ =	shalt  }
0x56: {  	_ =	shalt  }
0x57: {  	_ =	shalt  }
0x58: {  	_ =	shalt  }
0x59: {  	_ =	shalt  }
0x5a: {  	_ =	shalt  }
0x5b: {  	_ =	shalt  }
0x5c: {  	_ =	shalt  }
0x5d: {  	_ =	shalt  }
0x5e: {  	_ =	shalt  }
0x5f: {  	_ =	shalt  }
0x60: {  	_ =	shalt  }
0x61: {  	_ =	shalt  }
0x62: {  	_ =	shalt  }
0x63: {  	_ =	shalt  }
0x64: {  	_ =	shalt  }
0x65: {  	_ =	shalt  }
0x66: {  	_ =	shalt  }
0x67: {  	_ =	shalt  }
0x68: {  	_ =	shalt  }
0x69: {  	_ =	shalt  }
0x6a: {  	_ =	shalt  }
0x6b: {  	_ =	shalt  }
0x6c: {  	_ =	shalt  }
0x6d: {  	_ =	shalt  }
0x6e: {  	_ =	shalt  }
0x6f: {  	_ =	shalt  }
0x70: {  	_ =	shalt  }
0x71: {  	_ =	shalt  }
0x72: {  	_ =	shalt  }
0x73: {  	_ =	shalt  }
0x74: {  	_ =	shalt  }
0x75: {  	_ =	shalt  }
0x76: {  	_ =	shalt  }
0x77: {  	_ =	shalt  }
0x78: {  	_ =	shalt  }
0x79: {  	_ =	shalt  }
0x7a: {  	_ =	shalt  }
0x7b: {  	_ =	shalt  }
0x7c: {  	_ =	shalt  }
0x7d: {  	_ =	shalt  }
0x7e: {  	_ =	shalt  }
0x7f: {  	_ =	shalt  }
0x80: {  	_ =	shalt  }
0x81: {  	_ =	shalt  }
0x82: {  	_ =	shalt  }
0x83: {  	_ =	shalt  }
0x84: {  	_ =	shalt  }
0x85: {  	_ =	shalt  }
0x86: {  	_ =	shalt  }
0x87: {  	_ =	shalt  }
.Lfunc_end0:
.L_simem_size_0:
called_computation_lowered:
.L_overlay_start_0:
0x88: {  	s2 =	sld [smem:$0x3FD9]  }
0x89: {  	s3 =	sld [smem:$0x3FFE];
	_ =	sdelay $0x1  }
0x8a: {  	s1 =	srdreg.scid  }
0x8b: {  	s0 =	sand.u32 $0x1, s1  }
0x8c: {  	s18 =	sshll.u32 s0, $0xA;
	s2 =	sadd.s32 s3, s2  }
0x8d: {  	s2 =	sadd.s32 s2, s18  }
0x8e: {  	[smem:$0x3FC7] =	sst s2  }
0x8f: {  	_ = 	snop  }
0x90: {  	s2 =	sld [smem:$0x3FC9]  }
0x91: {  	s19 =	sld [smem:$0x3FD0];
	(tm) =	ssettm $0x1  }
0x92: {  	s4 =	sld [smem:$0x3FFB];
	_ =	sdelay $0x3  }
0x93: {  	_ =	strace s4  }
0x94: {  	s4 =	sld [smem:$0x3FFC];
	_ =	sdelay $0x3  }
0x95: {  	_ =	strace s4  }
0x96: {  	s4 =	sld [smem:$0x3FFD];
	_ =	sdelay $0x3  }
0x97: {  	_ =	strace s4  }
0x98: {  	_ =	strace $0x8FFFFFFF  }
0x99: {  	s20 =	sld [smem:$0x3FDB];
	_ =	sdelay $0x1  }
0x9a: {  	s5 =	simm.s32 $_scs_section_size  }
0x9b: {  	s6 =	simm.s32 $_size__tile_overlayer_lowered;
	s7 =	simm.s32 $_tile_overlayer_lowered  }
0x9c: {  	s23 =	simm.s32 $0x1BFF;
	s22 =	sshll.u32 s7, $0x1;
	s4 =	sadd.s32 s5, s20  }
0x9d: {  	s8 =	simm.s32 $0x0;
	s21 =	sshll.u32 s6, $0x1;
	s6 =	sadd.s32 s22, s4  }
0x9e: {  	[timem:s8], [sflag:s23] =	dma.local [hbm:s6], s21  }
0x9f: {  	_ =	swait.ge [sflag:s23], s21  }
0xa0: {  	s5 =	ssub.s32 $0x0, s21;
	[sflag:s23] =	ssyncset.done $0x0  }
0xa1: {  	[sflag:s23] =	ssyncadd.s32 s5;
	_ =	sdelay $0x1  }
0xa2: {  	s24 =	simm.s32 $0x1B8B  }
0xa3: {  	_ =	swait.ge [sflag:s24], $0x1  }
0xa4: {  	[sflag:s24] =	ssyncset.done $0x0  }
0xa5: {  	s25 =	simm.s32 $0x1B8E;
	[sflag:s24] =	ssyncadd.s32 $0xFFFFFFFF  }
0xa6: {  	s26 =	simm.s32 $execute0_lowered;
	[smem:$0x3FD2] =	sst s25  }
0xa7: {  	s5 =	sshll.u32 s26, $0x1;
	_ =	strace $0x80000046;
	[dreg:$0x1] =	wrdreg $0xFFFFFFFF  }
0xa8: {  	s28 =	simm.s32 $_size_execute0_lowered;
	s4 =	sadd.s32 s4, s5;
	[dreg:$0x0] =	wrdreg $0x0  }
0xa9: {  	s5 =	sshll.u32 s28, $0x1;
	[dreg:$0x2] =	wrdreg s4  }
0xaa: {  	[dreg:$0x3] =	wrdreg s5  }
0xab: {  	[dreg:$0x4] =	wrdreg $0xC0  }
0xac: {  	_ =	task [dreg:s8], $0x5FFFF  }
0xad: {  	[dreg:$0x1] =	wrdreg $0xFFFFFFFF  }
0xae: {  	[dreg:$0x0] =	wrdreg $0x60  }
0xaf: {  	[dreg:$0x2] =	wrdreg s2  }
0xb0: {  	[dreg:$0x3] =	wrdreg s19  }
0xb1: {  	[dreg:$0x4] =	wrdreg $0x9  }
0xb2: {  	_ =	task.clear_ibuf [dreg:s8], $0x5FFFF;
	_ =	strace $0x90000046  }
0xb3: {  	s29 =	simm.s32 $0x9;
	_ =	strace $0x80000048  }
0xb4: {  	_ =	swait.ge [sflag:s29], $0x1  }
0xb5: {  	[sflag:s29] =	ssyncadd.s32 $0xFFFFFFFF  }
0xb6: {  	_ =	strace $0x90000048  }
0xb7: {  	_ =	sfence  }
0xb8: {  	s30 =	sld [smem:$0x0];
	_ =	sdelay $0x2  }
0xb9: {  	s31 =	sshll.u32 s1, $0xD;
	s1 =	sshrl.u32 s1, $0x2  }
0xba: {  	s3 =	sand.u32 $0x4000, s31;
	s1 =	sadd.s32 s1, s30  }
0xbb: {  	s0 =	sor.u32 s3, s0;
	s1 =	sshll.u32 s1, $0x11  }
0xbc: {  	s0 =	sor.u32 s1, s0  }
0xbd: {  	s0 =	sadd.s32 $0x8F2B, s0  }
0xbe: {  	[sflag:s0] =	ssyncadd.remote.s32 $0x1  }
0xbf: {  	_ =	sfence.sel $0xFFFF  }
0xc0: {  	[dreg:$0x0] =	wrdreg $0xFFFFFFFF;
	(pc) =	sbr.abs _section_cstart, $3  }
0xc1: {  	[dreg:$0x1] =	wrdreg $0xFFFFFFFF  }
0xc2: {  	_ =	task.clear_ibuf [dreg:s8], $0x2FFFF;
	_ =	strace $0x9FFFFFFF  }
0xc3: {  	(tm) =	ssettm $0x7FFFFFFF  }
tec
execute0_lowered:
.L_overlay_start_1:
0x0: {  	(tag) =	ssettag $0x1  }
0x1: {  	s1 =	srdreg.scid;
	s2 =	rddreg [dreg:$0x0]  }
0x2: {  	s0 =	stileid.u32;
	s5 =	rddreg [dreg:$0x1]  }
0x3: {  	s3 =	sand.u32 $0x1, s1;
	s4 =	smul.u32 $0xC3500, s0;
	s1 =	rddreg [dreg:$0x2]  }
0x4: {  	s6 =	smul.u32 $0x61A80, s3;
	s7 =	ssub.s32 $0x2, s3;
	s3 =	simm.s32 $0x0  }
0x5: {  	s8 =	sshrl.u32 s7, $0x1;
	[smem:$0x7FF] =	sst s3  }
0x6: {  	s4 =	sadd.s32 s6, s4;
	s30 =	ssub.s32 s7, s8;
	_ =	strace $0x80000047  }
0x7: {  	s6 =	simm.s32 $0x2;
	s7 =	simm.s32 $0x1;
	s31 =	sshrl.u32 s4, $0x3  }
0x8: {  	s8 =	simm.s32 $0x0;
	s4 =	smax.u32 s30, $0x1;
	s5 =	sadd.s32 s31, s5  }
.LBB2_1:
0x9: {  	[tilespmem:s3], [sflag:$0x2] =	stream.linear.gather [hbm4b:s2+s3], $0x80, $0x38;
	[tilespmem:$0x3E80] =	vst v63  }
0xa: {  	_ =	swait.ge [sflag:s6], $0x80  }
0xb: {  	[sflag:s6] =	ssyncset.done $0x0  }
0xc: {  	[sflag:s6] =	ssyncadd.s32 $0xFFFFFF80  }
0xd: {  	v0 =	vld [tilespmem:$0x0]  }
0xe: {  	v1 =	vld [tilespmem:$0x10]  }
0xf: {  	v2 =	vld [tilespmem:$0x20]  }
0x10: {  	v7 =	vld [tilespmem:$0x70]  }
0x11: {  	v3 =	vld [tilespmem:$0x30]  }
0x12: {  	v4 =	vld [tilespmem:$0x40]  }
0x13: {  	v5 =	vld [tilespmem:$0x50]  }
0x14: {  	s9 =	simm.s32 $0x0;
	s10 =	simm.s32 $0x200;
	v6 =	vld [tilespmem:$0x60]  }
.LBB2_2:
0x15: {  	p0 =	sne.s32 s10, $0xF800;
	[tilespmem:s9+$0x70] =	vst v7  }
0x16: {  	[tilespmem:s9+$0x0] =	vst v0  }
0x17: {  	[tilespmem:s9+$0x10] =	vst v1  }
.Ltmp0:
0x18: {  	[tilespmem:s9+$0x20] =	vst v2;
	(pc) =	sbr.rel @p0 .LBB2_2-.Ltmp0, $4  }
0x19: {  	[tilespmem:s9+$0x30] =	vst v3  }
0x1a: {  	[tilespmem:s9+$0x40] =	vst v4  }
0x1b: {  	[tilespmem:s9+$0x50] =	vst v5  }
0x1c: {  	[tilespmem:s9+$0x60] =	vst v6;
	s9 =	sshra.s32 s10, $0x2;
	s10 =	sadd.s32 $0x200, s10  }
0x1d: {  	[tilespmem:s9+$0x70] =	vst v7  }
0x1e: {  	[tilespmem:s9+$0x0] =	vst v0  }
0x1f: {  	[tilespmem:s9+$0x10] =	vst v1  }
0x20: {  	[tilespmem:s9+$0x20] =	vst v2  }
0x21: {  	[tilespmem:s9+$0x30] =	vst v3  }
0x22: {  	[tilespmem:s9+$0x40] =	vst v4  }
0x23: {  	[tilespmem:s9+$0x50] =	vst v5  }
0x24: {  	[tilespmem:s9+$0x60] =	vst v6;
	s9 =	simm.s32 $0x7D0;
	s10 =	sadd.s32 $0x0, s5  }
.LBB2_4:
0x25: {  	[hbm4b:s10+s3] =	stream.linear.scatter [tilespmem:s3], [sflag:$0x1], $0x3E80, $0x38;
	[tilespmem:$0x3E80] =	vst v63  }
0x26: {  	s10 =	smov.u32 s9;
	p0 =	sne.s32 s9, $0xBB80  }
.Ltmp1:
0x27: {  	s9 =	sadd.s32 $0x7D0, s9;
	(pc) =	sbr.rel @p0 .LBB2_4-.Ltmp1, $2  }
0x28: {  	_ =	sdelay $0x2  }
0x29: {  	s10 =	sadd.s32 s10, s5  }
0x2a: {  	[hbm4b:s10+s3] =	stream.linear.scatter [tilespmem:s3], [sflag:$0x1], $0x3E80, $0x38;
	[tilespmem:$0x3E80] =	vst v63  }
0x2b: {  	_ =	swait.ge [sflag:s7], $0x3E80  }
0x2c: {  	[sflag:s7] =	ssyncset.done $0x0  }
0x2d: {  	[sflag:s7] =	ssyncadd.s32 $0xFFFFC180  }
0x2e: {  	_ =	swait.ge [sflag:s7], $0x3E80  }
0x2f: {  	[sflag:s7] =	ssyncset.done $0x0  }
0x30: {  	[sflag:s7] =	ssyncadd.s32 $0xFFFFC180  }
0x31: {  	_ =	swait.ge [sflag:s7], $0x3E80  }
0x32: {  	[sflag:s7] =	ssyncset.done $0x0  }
0x33: {  	[sflag:s7] =	ssyncadd.s32 $0xFFFFC180  }
0x34: {  	_ =	swait.ge [sflag:s7], $0x3E80  }
0x35: {  	[sflag:s7] =	ssyncset.done $0x0  }
0x36: {  	[sflag:s7] =	ssyncadd.s32 $0xFFFFC180  }
0x37: {  	_ =	swait.ge [sflag:s7], $0x3E80  }
0x38: {  	[sflag:s7] =	ssyncset.done $0x0  }
0x39: {  	[sflag:s7] =	ssyncadd.s32 $0xFFFFC180  }
0x3a: {  	_ =	swait.ge [sflag:s7], $0x3E80  }
0x3b: {  	[sflag:s7] =	ssyncset.done $0x0  }
0x3c: {  	[sflag:s7] =	ssyncadd.s32 $0xFFFFC180  }
0x3d: {  	_ =	swait.ge [sflag:s7], $0x3E80  }
0x3e: {  	[sflag:s7] =	ssyncset.done $0x0  }
0x3f: {  	[sflag:s7] =	ssyncadd.s32 $0xFFFFC180  }
0x40: {  	_ =	swait.ge [sflag:s7], $0x3E80  }
0x41: {  	[sflag:s7] =	ssyncset.done $0x0  }
0x42: {  	[sflag:s7] =	ssyncadd.s32 $0xFFFFC180  }
0x43: {  	_ =	swait.ge [sflag:s7], $0x3E80  }
0x44: {  	[sflag:s7] =	ssyncset.done $0x0  }
0x45: {  	[sflag:s7] =	ssyncadd.s32 $0xFFFFC180  }
0x46: {  	_ =	swait.ge [sflag:s7], $0x3E80  }
0x47: {  	[sflag:s7] =	ssyncset.done $0x0  }
0x48: {  	[sflag:s7] =	ssyncadd.s32 $0xFFFFC180  }
0x49: {  	_ =	swait.ge [sflag:s7], $0x3E80  }
0x4a: {  	[sflag:s7] =	ssyncset.done $0x0  }
0x4b: {  	[sflag:s7] =	ssyncadd.s32 $0xFFFFC180  }
0x4c: {  	_ =	swait.ge [sflag:s7], $0x3E80  }
0x4d: {  	[sflag:s7] =	ssyncset.done $0x0  }
0x4e: {  	[sflag:s7] =	ssyncadd.s32 $0xFFFFC180  }
0x4f: {  	_ =	swait.ge [sflag:s7], $0x3E80  }
0x50: {  	[sflag:s7] =	ssyncset.done $0x0  }
0x51: {  	[sflag:s7] =	ssyncadd.s32 $0xFFFFC180  }
0x52: {  	_ =	swait.ge [sflag:s7], $0x3E80  }
0x53: {  	[sflag:s7] =	ssyncset.done $0x0  }
0x54: {  	[sflag:s7] =	ssyncadd.s32 $0xFFFFC180  }
0x55: {  	_ =	swait.ge [sflag:s7], $0x3E80  }
0x56: {  	[sflag:s7] =	ssyncset.done $0x0  }
0x57: {  	[sflag:s7] =	ssyncadd.s32 $0xFFFFC180  }
0x58: {  	_ =	swait.ge [sflag:s7], $0x3E80  }
0x59: {  	[sflag:s7] =	ssyncset.done $0x0  }
0x5a: {  	[sflag:s7] =	ssyncadd.s32 $0xFFFFC180  }
0x5b: {  	_ =	swait.ge [sflag:s7], $0x3E80  }
0x5c: {  	[sflag:s7] =	ssyncset.done $0x0  }
0x5d: {  	[sflag:s7] =	ssyncadd.s32 $0xFFFFC180  }
0x5e: {  	_ =	swait.ge [sflag:s7], $0x3E80  }
0x5f: {  	[sflag:s7] =	ssyncset.done $0x0  }
0x60: {  	[sflag:s7] =	ssyncadd.s32 $0xFFFFC180  }
0x61: {  	_ =	swait.ge [sflag:s7], $0x3E80  }
0x62: {  	[sflag:s7] =	ssyncset.done $0x0  }
0x63: {  	[sflag:s7] =	ssyncadd.s32 $0xFFFFC180  }
0x64: {  	_ =	swait.ge [sflag:s7], $0x3E80  }
0x65: {  	[sflag:s7] =	ssyncset.done $0x0  }
0x66: {  	[sflag:s7] =	ssyncadd.s32 $0xFFFFC180  }
0x67: {  	_ =	swait.ge [sflag:s7], $0x3E80  }
0x68: {  	[sflag:s7] =	ssyncset.done $0x0  }
0x69: {  	[sflag:s7] =	ssyncadd.s32 $0xFFFFC180  }
0x6a: {  	_ =	swait.ge [sflag:s7], $0x3E80  }
0x6b: {  	[sflag:s7] =	ssyncset.done $0x0  }
0x6c: {  	[sflag:s7] =	ssyncadd.s32 $0xFFFFC180  }
0x6d: {  	_ =	swait.ge [sflag:s7], $0x3E80  }
0x6e: {  	[sflag:s7] =	ssyncset.done $0x0  }
0x6f: {  	s8 =	sadd.s32 $0x1, s8;
	[sflag:s7] =	ssyncadd.s32 $0xFFFFC180  }
0x70: {  	p0 =	sne.s32 s8, s4;
	_ =	swait.ge [sflag:s7], $0x3E80  }
.Ltmp2:
0x71: {  	[sflag:s7] =	ssyncset.done $0x0;
	(pc) =	sbr.rel @p0 .LBB2_1-.Ltmp2, $4  }
0x72: {  	[sflag:s7] =	ssyncadd.s32 $0xFFFFC180  }
0x73: {  	_ =	swait.ge [sflag:s7], $0x3E80  }
0x74: {  	[sflag:s7] =	ssyncset.done $0x0  }
0x75: {  	[sflag:s7] =	ssyncadd.s32 $0xFFFFC180  }
0x76: {  	_ =	sfence.sel $0x180000  }
0x77: {  	[bflag:$0x0] =	sbarrier.arrive $0xFFFF  }
0x78: {  	p0 =	sne.s32 s0, $0x0;
	_ =	strace $0x90000047  }
0x79: {  	s0 =	sadd.s32 @!p0 $0x100000, s1;
	[bflag:$0x2] =	sbarrier.arrive $0xFFFF  }
0x7a: {  	[sflag:s0] =	ssyncadd.tile.s32 @!p0 $0x1;
	_ =	shalt  }
.Lfunc_end2:
_tile_overlayer_lowered:
.L_overlay_start_2:
0x7b: {  	(tag) =	ssettag $0x2  }
0x7c: {  	s0 =	rddreg [dreg:$0x0];
	s2 =	stileid.u32  }
0x7d: {  	s1 =	rddreg [dreg:$0x1];
	p0 =	sne.s32 s2, $0x0  }
0x7e: {  	s3 =	rddreg [dreg:$0x2];
	[bflag:$0x3] =	sbarrier.arrive $0xFFFF;
	s2 =	simm.s32 @!p0 $0x1C02  }
0x7f: {  	[timem:s3], [sflag:s2] =	dma.local @!p0 [hbm:s0], s1  }
0x80: {  	s0 =	simm.s32 @!p0 $0x2  }
0x81: {  	_ =	swait.ge @!p0 [sflag:s0], s1  }
0x82: {  	s1 =	ssub.s32 @!p0 $0x0, s1;
	[sflag:s0] =	ssyncset.done @!p0 $0x0  }
0x83: {  	[sflag:s0] =	ssyncadd.s32 @!p0 s1  }
0x84: {  	[bflag:$0x3] =	sbarrier.arrive $0xFFFF  }
0x85: {  	_ =	shalt  }

</sc_bundles>
